<compile_context>
chip_gen: v7x
topology: tpu7x:2x2x1
jax: 0.10.2.dev20260603
libtpu: 0.0.44.dev20260713+nightly
codegen_flags: <defaults>
</compile_context>

<pallas_src>
import functools

import jax
import jax.numpy as jnp
from jax import lax
from jax.experimental import pallas as pl
from jax.experimental.pallas import tpu as pltpu
from jax.experimental.pallas import tpu_sc as plsc

NB, BSZ, NG, BPG = 8, 4, 4, 2
L = 16
G = 4
NC, NS = 2, 16
NPS = 628
CH_MAX = NPS // G
CH_PAD = 160
BN = 80


def _sc_gather_body(N, K, D,
                    msg_f, idx_f, gout,
                    idx_all, buf, sem_g, sem_o, sem_i):
    bs = lax.axis_index("c")
    sid = lax.axis_index("s")
    n_start = sid * NPS
    nodes_here = jnp.minimum(NPS, N - n_start)
    ch_count = nodes_here // G

    row0 = (bs * NS + sid) * CH_PAD
    pltpu.async_copy(idx_f.at[pl.ds(row0, CH_PAD)], idx_all, sem_i)
    pltpu.make_async_copy(idx_f.at[pl.ds(0, CH_PAD)], idx_all, sem_i).wait()

    def obase(j):
        return (bs * N + n_start + j * G) * K

    def issue(j, p):
        @pl.when(j < ch_count)
        def _():
            pltpu.async_copy(msg_f.at[idx_all.at[j]], buf.at[p], sem_g.at[p])

    def wait_in(j, p):
        pltpu.make_async_copy(msg_f.at[idx_all.at[j]], buf.at[p],
                              sem_g.at[p]).wait()

    def wait_out(j, p):
        pltpu.make_async_copy(buf.at[p], gout.at[pl.ds(obase(j), G * K)],
                              sem_o.at[p]).wait()

    issue(0, 0)

    def chunk_iter(j, _):
        p = j % 2
        pn = (j + 1) % 2

        @pl.when((j >= 1) & (j - 1 < ch_count))
        def _():
            wait_out(j - 1, pn)

        issue(j + 1, pn)

        @pl.when(j < ch_count)
        def _():
            wait_in(j, p)
            pltpu.async_copy(buf.at[p], gout.at[pl.ds(obase(j), G * K)],
                             sem_o.at[p])

        return 0

    lax.fori_loop(0, CH_MAX, chunk_iter, 0)

    @pl.when(ch_count == CH_MAX)
    def _():
        wait_out(CH_MAX - 1, (CH_MAX - 1) % 2)


@functools.partial(jax.jit, static_argnums=(2, 3, 4))
def _sc_gather(msg_f, idx_f, N, K, D):
    mesh = plsc.VectorSubcoreMesh(core_axis_name="c", subcore_axis_name="s",
                                  num_cores=NC, num_subcores=NS)
    body = functools.partial(_sc_gather_body, N, K, D)
    BSN = msg_f.shape[0]
    return pl.kernel(
        body,
        out_type=jax.ShapeDtypeStruct((BSN * K, D), jnp.float32),
        mesh=mesh,
        compiler_params=pltpu.CompilerParams(needs_layout_passes=False),
        scratch_types=[
            pltpu.VMEM((CH_PAD, G * K), jnp.int32),
            pltpu.VMEM((2, G * K, D), jnp.float32),
            pltpu.SemaphoreType.DMA((2,)),
            pltpu.SemaphoreType.DMA((2,)),
            pltpu.SemaphoreType.DMA,
        ],
    )(msg_f, idx_f)


def _tc_math_body(NBLK, K, D, cc_ref, gout_ref, h_ref, key_ref, prim_ref,
                  dec_ref, bw_ref, gw_ref, hn_ref, mn_ref):
    i = pl.program_id(0)
    msgs = gout_ref[...].reshape(BN, K, D)
    key = key_ref[...]
    sim = jnp.sum(msgs * key[:, None, :], axis=-1)
    rt = jax.nn.sigmoid(sim)
    w = (msgs * rt[..., None]).reshape(BN, NB, BSZ, D)
    bw = bw_ref[...].astype(jnp.float32).reshape(BN, NB, BSZ, D)
    branch = jnp.tanh(jnp.sum(w * bw, axis=2))
    gw = gw_ref[...].astype(jnp.float32).reshape(BN, NG, BPG, D)
    group = jnp.tanh(jnp.sum(branch.reshape(BN, NG, BPG, D) * gw, axis=2))
    received = jnp.mean(group, axis=1)
    received = received + jnp.where((i % NBLK) == 0, cc_ref[0], 0.0)
    dec = dec_ref[...]
    hn = dec * h_ref[...] + (1.0 - dec) * received
    hn_ref[...] = hn
    mn_ref[...] = jnp.tanh(hn * prim_ref[...])


@functools.partial(jax.jit, static_argnums=(8, 9, 10))
def _tc_math(gout, h_f, key_f, prim_f, dec_f, bw_f, gw_f, cc80, N, K, D):
    NBLK = N // BN
    BSN = h_f.shape[0]
    grid = (BSN // BN,)
    body = functools.partial(_tc_math_body, NBLK, K, D)
    row = lambda i: (i, 0)
    wrow = lambda i: (i % NBLK, 0)
    return pl.pallas_call(
        body,
        grid=grid,
        in_specs=[
            pl.BlockSpec((1, BN, D), lambda i: (i // NBLK, 0, 0)),
            pl.BlockSpec((BN * K, D), row),
            pl.BlockSpec((BN, D), row),
            pl.BlockSpec((BN, D), row),
            pl.BlockSpec((BN, D), row),
            pl.BlockSpec((BN, D), row),
            pl.BlockSpec((BN * NB * BSZ, D), wrow),
            pl.BlockSpec((BN * NG * BPG, D), wrow),
        ],
        out_specs=[
            pl.BlockSpec((BN, D), row),
            pl.BlockSpec((BN, D), row),
        ],
        out_shape=[
            jax.ShapeDtypeStruct((BSN, D), jnp.float32),
            jax.ShapeDtypeStruct((BSN, D), jnp.float32),
        ],
    )(cc80, gout, h_f, key_f, prim_f, dec_f, bw_f, gw_f)


def kernel(cc_signals, h_prev, prev_messages, eff_prim, eff_key, eff_decay,
           conn_indices, branch_w, group_w):
    BS, T, C, D = cc_signals.shape
    N, K = conn_indices.shape
    n_pad = NS * NPS

    conn = conn_indices.astype(jnp.int32)
    conn = jnp.pad(conn, ((0, n_pad - N), (0, 0)))
    idx_f = (conn[None] + (jnp.arange(BS, dtype=jnp.int32) * N)[:, None, None])
    idx_f = idx_f.reshape(BS, NS, CH_MAX, G * K)
    idx_f = jnp.pad(idx_f, ((0, 0), (0, 0), (0, CH_PAD - CH_MAX), (0, 0)))
    idx_f = idx_f.reshape(BS * NS * CH_PAD, G * K)

    dec_f = jnp.broadcast_to(eff_decay[..., None], (BS, N, D)).reshape(BS * N, D)
    h_f = h_prev.reshape(BS * N, D)
    msg_f = prev_messages.reshape(BS * N, D)
    key_f = eff_key.reshape(BS * N, D)
    prim_f = eff_prim.reshape(BS * N, D)
    bw_f = branch_w.reshape(N * NB * BSZ, D).astype(jnp.bfloat16)
    gw_f = group_w.reshape(N * NG * BPG, D).astype(jnp.bfloat16)

    outs = []
    h, m = h_f, msg_f
    for t in range(T):
        cc80 = jnp.zeros((BS, BN, D), jnp.float32).at[:, :C].set(cc_signals[:, t])
        gout = _sc_gather(m, idx_f, N, K, D)
        h, m = _tc_math(gout, h, key_f, prim_f, dec_f, bw_f, gw_f, cc80,
                        N, K, D)
        outs.append(m.reshape(BS, N, D)[:, :C])

    output = jnp.stack(outs, axis=1)
    return output, h.reshape(BS, N, D)

# --- scband reference (transcript-rebuilt; emitter-appended) ---
"""Pipeline reference for scband-memory-graph-25950192402898 (READ-ONLY COPY).

The authoritative reference and input builder live on the scoring server;
editing this copy changes nothing except your own understanding.
"""

import jax, jax.numpy as jnp
import numpy as np

NB, BSZ, NG, BPG = 8, 4, 4, 2  # dendritic tree layout; n_tree = NG*BPG*BSZ = 32 = K


def setup_inputs(seed: int = 0) -> dict:
    key = jax.random.key(seed)
    ks = jax.random.split(key, 9)
    BS, T, C, D, N, K = 2, 8, 16, 128, 10000, 32
    cc_signals = jax.random.normal(ks[0], (BS, T, C, D), dtype=jnp.float32)
    h_prev = jax.random.normal(ks[1], (BS, N, D), dtype=jnp.float32)
    prev_messages = jax.random.normal(ks[2], (BS, N, D), dtype=jnp.float32)
    eff_prim = jax.random.normal(ks[3], (BS, N, D), dtype=jnp.float32)
    eff_key = jax.random.normal(ks[4], (BS, N, D), dtype=jnp.float32) * 0.1
    eff_decay = jax.random.uniform(ks[5], (BS, N), dtype=jnp.float32)
    conn_indices = jax.random.randint(ks[6], (N, K), 0, N, dtype=jnp.int64)
    branch_w = jax.random.normal(ks[7], (N, NB, BSZ, D), dtype=jnp.float32) * 0.1
    group_w = jax.random.normal(ks[8], (N, NG, BPG, D), dtype=jnp.float32) * 0.1
    return {
        'cc_signals': cc_signals, 'h_prev': h_prev, 'prev_messages': prev_messages,
        'eff_prim': eff_prim, 'eff_key': eff_key, 'eff_decay': eff_decay,
        'conn_indices': conn_indices, 'branch_w': branch_w, 'group_w': group_w,
    }


def _dendritic_gather(weighted, branch_w, group_w):
    BS, N, K, D = weighted.shape
    tree_msgs = weighted.reshape(BS, N, NB, BSZ, D)
    branch_out = jnp.tanh(jnp.sum(tree_msgs * branch_w[None], axis=3))  # [BS,N,NB,D]
    branch_grouped = branch_out.reshape(BS, N, NG, BPG, D)
    group_out = jnp.tanh(jnp.sum(branch_grouped * group_w[None], axis=3))  # [BS,N,NG,D]
    received = jnp.mean(group_out, axis=2)  # n_tree == K so no leftover branch
    return received


def reference(cc_signals, h_prev, prev_messages, eff_prim, eff_key, eff_decay,
              conn_indices, branch_w, group_w):
    C = cc_signals.shape[2]
    eff_decay_exp = eff_decay[..., None]  # [BS,N,1]

    def step(carry, cc_t):
        h, prev_msg = carry
        neighbor_msgs = prev_msg[:, conn_indices]  # gather -> [BS,N,K,D]
        sim = jnp.sum(eff_key[:, :, None, :] * neighbor_msgs, axis=-1)  # [BS,N,K]
        routing = jax.nn.sigmoid(sim)
        weighted = routing[..., None] * neighbor_msgs
        received = _dendritic_gather(weighted, branch_w, group_w)
        received = received.at[:, :C].add(cc_t)
        h_new = eff_decay_exp * h + (1.0 - eff_decay_exp) * received
        msg_new = jnp.tanh(h_new * eff_prim)
        return (h_new, msg_new), msg_new[:, :C]

    cc_seq = jnp.swapaxes(cc_signals, 0, 1)  # [T,BS,C,D]
    (h_final, _), outs = jax.lax.scan(step, (h_prev, prev_messages), cc_seq)
    output = jnp.swapaxes(outs, 0, 1)  # [BS,T,C,D]
    return output, h_final

if __name__ == "__main__":
    import jax
    _d = setup_inputs()
    print(jax.jit(kernel)(*tuple(_d.values())))

</pallas_src>

<mosaic_0001>
#map = affine_map<(d0, d1) -> (0, 0)>
module attributes {stable_mosaic.version = 14 : i64} {
  func.func @_sc_gather_body(%arg0: i32, %arg1: i32, %arg2: memref<20000x128xf32, #tpu.memory_space<hbm>>, %arg3: memref<5120x128xi32, #tpu.memory_space<hbm>>, %arg4: memref<640000x128xf32, #tpu.memory_space<hbm>>, %arg5: memref<160x128xi32, #tpu.memory_space<vmem>>, %arg6: memref<2x128x128xf32, #tpu.memory_space<vmem>>, %arg7: memref<2x!tpu.dma_semaphore, #tpu.memory_space<semaphore_mem>>, %arg8: memref<2x!tpu.dma_semaphore, #tpu.memory_space<semaphore_mem>>, %arg9: memref<!tpu.dma_semaphore, #tpu.memory_space<semaphore_mem>>) attributes {dimension_semantics = [#tpu.dimension_semantics<core_parallel>, #tpu.dimension_semantics<subcore_parallel>], iteration_bounds = array<i64: 2, 16>, scalar_prefetch = 0 : i64, scratch_operands = 5 : i64, tpu.core_type = #tpu.core_type<sc_vector_subcore>, window_params = [{transform_indices = #map}, {transform_indices = #map}, {transform_indices = #map}]} {
    %mul3A = arith.constant 628 : i32
    %mul3A_0 = arith.muli %arg1, %mul3A : i32
    %sub3A = arith.constant 10000 : i32
    %sub3A_1 = arith.subi %sub3A, %mul3A_0 : i32
    %min3A = arith.constant 628 : i32
    %min3A_2 = arith.minsi %min3A, %sub3A_1 : i32
    %jit3A = arith.constant 4 : i32
    %div3A = arith.divsi %min3A_2, %jit3A : i32
    %sign3A = arith.constant 0 : i32
    %sign3A_3 = arith.cmpi sgt, %min3A_2, %sign3A : i32
    %sign3A_4 = arith.extui %sign3A_3 : i1 to i32
    %sign3A_5 = arith.constant 0 : i32
    %sign3A_6 = arith.cmpi slt, %min3A_2, %sign3A_5 : i32
    %sign3A_7 = arith.extui %sign3A_6 : i1 to i32
    %sign3A_8 = arith.subi %sign3A_4, %sign3A_7 : i32
    %sign3A_9 = arith.constant 0 : i32
    %sign3A_10 = arith.cmpi sgt, %jit3A, %sign3A_9 : i32
    %sign3A_11 = arith.extui %sign3A_10 : i1 to i32
    %sign3A_12 = arith.constant 0 : i32
    %sign3A_13 = arith.cmpi slt, %jit3A, %sign3A_12 : i32
    %sign3A_14 = arith.extui %sign3A_13 : i1 to i32
    %sign3A_15 = arith.subi %sign3A_11, %sign3A_14 : i32
    %ne3A = arith.cmpi ne, %sign3A_8, %sign3A_15 : i32
    %rem3A = arith.remsi %min3A_2, %jit3A : i32
    %ne3A_16 = arith.constant 0 : i32
    %ne3A_17 = arith.cmpi ne, %rem3A, %ne3A_16 : i32
    %and3A = arith.andi %ne3A, %ne3A_17 : i1
    %sub3A_18 = arith.constant 1 : i32
    %sub3A_19 = arith.subi %div3A, %sub3A_18 : i32
    %select_n3A = arith.select %and3A, %sub3A_19, %div3A : i32
    %mul3A_20 = arith.constant 16 : i32
    %mul3A_21 = arith.muli %arg0, %mul3A_20 : i32
    %add3A = arith.addi %mul3A_21, %arg1 : i32
    %mul3A_22 = arith.constant 160 : i32
    %mul3A_23 = arith.muli %add3A, %mul3A_22 : i32
    %dma_start3A = arith.constant 0 : i32
    %dma_start3A_24 = tpu.memref_slice %arg3[%mul3A_23, %dma_start3A] : memref<5120x128xi32, #tpu.memory_space<hbm>> -> memref<160x128xi32, #tpu.memory_space<hbm>>
    %dma_start3A_25 = arith.constant 0 : i32
    %dma_start3A_26 = tpu.memref_slice %arg3[%mul3A_23, %dma_start3A_25] : memref<5120x128xi32, #tpu.memory_space<hbm>> -> memref<160x128xi32, #tpu.memory_space<hbm>>
    tpu.enqueue_dma source(%dma_start3A_26 : memref<160x128xi32, #tpu.memory_space<hbm>>) target(%arg5 : memref<160x128xi32, #tpu.memory_space<vmem>>) target_semaphore(%arg9 : memref<!tpu.dma_semaphore, #tpu.memory_space<semaphore_mem>>)
    %dma_wait3A = arith.constant 0 : i32
    %dma_wait3A_27 = arith.constant 0 : i32
    %dma_wait3A_28 = tpu.memref_slice %arg3[%dma_wait3A, %dma_wait3A_27] : memref<5120x128xi32, #tpu.memory_space<hbm>> -> memref<160x128xi32, #tpu.memory_space<hbm>>
    %dma_wait3A_29 = arith.constant 0 : i32
    %dma_wait3A_30 = arith.constant 0 : i32
    %dma_wait3A_31 = tpu.memref_slice %arg3[%dma_wait3A_29, %dma_wait3A_30] : memref<5120x128xi32, #tpu.memory_space<hbm>> -> memref<160x128xi32, #tpu.memory_space<hbm>>
    tpu.wait_dma2 semaphore(%arg9 : memref<!tpu.dma_semaphore, #tpu.memory_space<semaphore_mem>>) src(%dma_wait3A_31 : memref<160x128xi32, #tpu.memory_space<hbm>>) dst(%arg5 : memref<160x128xi32, #tpu.memory_space<vmem>>)
    %gt3A = arith.constant 0 : i32
    %gt3A_32 = arith.cmpi sgt, %select_n3A, %gt3A : i32
    %convert_element_type3A = arith.extui %gt3A_32 : i1 to i32
    %cond3A = arith.constant 0 : i32
    %cond3A_33 = arith.cmpi ne, %convert_element_type3A, %cond3A : i32
    scf.if %cond3A_33 {
      %dma_start3A_44 = arith.constant 0 : i32
      %dma_start3A_45 = arith.constant 0 : i32
      %dma_start3A_46 = arith.constant 0 : i32
      %dma_start3A_47 = arith.constant 0 : i32
      %dma_start3A_48 = arith.constant 0 : i32
      %dma_start3A_49 = tpu.memref_slice %arg6[%dma_start3A_45, %dma_start3A_47, %dma_start3A_48] : memref<2x128x128xf32, #tpu.memory_space<vmem>> -> memref<1x128x128xf32, #tpu.memory_space<vmem>>
      %dma_start3A_50 = tpu.memref_squeeze %dma_start3A_49 : memref<1x128x128xf32, #tpu.memory_space<vmem>> -> memref<128x128xf32, #tpu.memory_space<vmem>>
      %dma_start3A_51 = arith.constant 0 : i32
      %dma_start3A_52 = tpu.memref_slice %arg5[%dma_start3A_44, %dma_start3A_51] : memref<160x128xi32, #tpu.memory_space<vmem>> -> memref<1x128xi32, #tpu.memory_space<vmem>>
      %dma_start3A_53 = tpu.memref_squeeze %dma_start3A_52 : memref<1x128xi32, #tpu.memory_space<vmem>> -> memref<128xi32, #tpu.memory_space<vmem>>
      %dma_start3A_54 = arith.constant 0 : i32
      %dma_start3A_55 = arith.constant 0 : i32
      %dma_start3A_56 = tpu.memref_slice %arg2[%dma_start3A_54, %dma_start3A_55] : memref<20000x128xf32, #tpu.memory_space<hbm>> -> memref<20000x128xf32, #tpu.memory_space<hbm>>
      %dma_start3A_57 = tpu.memref_slice %arg7[%dma_start3A_46] : memref<2x!tpu.dma_semaphore, #tpu.memory_space<semaphore_mem>> -> memref<1x!tpu.dma_semaphore, #tpu.memory_space<semaphore_mem>>
      %dma_start3A_58 = tpu.memref_squeeze %dma_start3A_57 : memref<1x!tpu.dma_semaphore, #tpu.memory_space<semaphore_mem>> -> memref<!tpu.dma_semaphore, #tpu.memory_space<semaphore_mem>>
      tpu.enqueue_indirect_dma source(%dma_start3A_56 : memref<20000x128xf32, #tpu.memory_space<hbm>>) target(%dma_start3A_50 : memref<128x128xf32, #tpu.memory_space<vmem>>) offsets(%dma_start3A_53 : memref<128xi32, #tpu.memory_space<vmem>>) semaphore(%dma_start3A_58 : memref<!tpu.dma_semaphore, #tpu.memory_space<semaphore_mem>>)
    } else {
    }
    %scan3A = arith.constant 0 : i32
    %scan3A_34 = arith.constant 0 : i32
    %scan3A_35 = arith.constant 157 : i32
    %scan3A_36 = arith.addi %scan3A_34, %scan3A_35 : i32
    %scan3A_37 = arith.constant 1 : i32
    %scan3A_38 = scf.for %scan3A_44 = %scan3A_34 to %scan3A_36 step %scan3A_37 iter_args(%scan3A_45 = %scan3A) -> (i32)  : i32 {
      %jit3A_46 = arith.constant 2 : i32
      %eq3A_47 = arith.constant 0 : i32
      %eq3A_48 = arith.cmpi eq, %jit3A_46, %eq3A_47 : i32
      %jit3A_49 = arith.constant 1 : i32
      %select_n3A_50 = arith.select %eq3A_48, %jit3A_49, %jit3A_46 : i32
      %rem3A_51 = arith.remsi %scan3A_44, %select_n3A_50 : i32
      %ne3A_52 = arith.constant 0 : i32
      %ne3A_53 = arith.cmpi ne, %rem3A_51, %ne3A_52 : i32
      %lt3A = arith.constant 0 : i32
      %lt3A_54 = arith.cmpi slt, %rem3A_51, %lt3A : i32
      %lt3A_55 = arith.constant 0 : i32
      %lt3A_56 = arith.cmpi slt, %select_n3A_50, %lt3A_55 : i32
      %ne3A_57 = arith.xori %lt3A_54, %lt3A_56 : i1
      %and3A_58 = arith.andi %ne3A_57, %ne3A_53 : i1
      %add3A_59 = arith.addi %rem3A_51, %select_n3A_50 : i32
      %select_n3A_60 = arith.select %and3A_58, %add3A_59, %rem3A_51 : i32
      %add3A_61 = arith.constant 1 : i32
      %add3A_62 = arith.addi %scan3A_44, %add3A_61 : i32
      %jit3A_63 = arith.constant 2 : i32
      %eq3A_64 = arith.constant 0 : i32
      %eq3A_65 = arith.cmpi eq, %jit3A_63, %eq3A_64 : i32
      %jit3A_66 = arith.constant 1 : i32
      %select_n3A_67 = arith.select %eq3A_65, %jit3A_66, %jit3A_63 : i32
      %rem3A_68 = arith.remsi %add3A_62, %select_n3A_67 : i32
      %ne3A_69 = arith.constant 0 : i32
      %ne3A_70 = arith.cmpi ne, %rem3A_68, %ne3A_69 : i32
      %lt3A_71 = arith.constant 0 : i32
      %lt3A_72 = arith.cmpi slt, %rem3A_68, %lt3A_71 : i32
      %lt3A_73 = arith.constant 0 : i32
      %lt3A_74 = arith.cmpi slt, %select_n3A_67, %lt3A_73 : i32
      %ne3A_75 = arith.xori %lt3A_72, %lt3A_74 : i1
      %and3A_76 = arith.andi %ne3A_75, %ne3A_70 : i1
      %add3A_77 = arith.addi %rem3A_68, %select_n3A_67 : i32
      %select_n3A_78 = arith.select %and3A_76, %add3A_77, %rem3A_68 : i32
      %ge3A = arith.constant 1 : i32
      %ge3A_79 = arith.cmpi sge, %scan3A_44, %ge3A : i32
      %sub3A_80 = arith.constant 1 : i32
      %sub3A_81 = arith.subi %scan3A_44, %sub3A_80 : i32
      %lt3A_82 = arith.cmpi slt, %sub3A_81, %select_n3A : i32
      %and3A_83 = arith.andi %ge3A_79, %lt3A_82 : i1
      %convert_element_type3A_84 = arith.extui %and3A_83 : i1 to i32
      %cond3A_85 = arith.constant 0 : i32
      %cond3A_86 = arith.cmpi ne, %convert_element_type3A_84, %cond3A_85 : i32
      scf.if %cond3A_86 {
        %sub3A_98 = arith.constant 1 : i32
        %sub3A_99 = arith.subi %scan3A_44, %sub3A_98 : i32
        %mul3A_100 = arith.constant 10000 : i32
        %mul3A_101 = arith.muli %arg0, %mul3A_100 : i32
        %add3A_102 = arith.addi %mul3A_101, %mul3A_0 : i32
        %mul3A_103 = arith.constant 4 : i32
        %mul3A_104 = arith.muli %sub3A_99, %mul3A_103 : i32
        %add3A_105 = arith.addi %add3A_102, %mul3A_104 : i32
        %mul3A_106 = arith.constant 32 : i32
        %mul3A_107 = arith.muli %add3A_105, %mul3A_106 : i32
        %dma_wait3A_108 = arith.constant 0 : i32
        %dma_wait3A_109 = arith.constant 0 : i32
        %dma_wait3A_110 = tpu.memref_slice %arg6[%select_n3A_78, %dma_wait3A_108, %dma_wait3A_109] : memref<2x128x128xf32, #tpu.memory_space<vmem>> -> memref<1x128x128xf32, #tpu.memory_space<vmem>>
        %dma_wait3A_111 = tpu.memref_squeeze %dma_wait3A_110 : memref<1x128x128xf32, #tpu.memory_space<vmem>> -> memref<128x128xf32, #tpu.memory_space<vmem>>
        %dma_wait3A_112 = arith.constant 0 : i32
        %dma_wait3A_113 = tpu.memref_slice %arg4[%mul3A_107, %dma_wait3A_112] : memref<640000x128xf32, #tpu.memory_space<hbm>> -> memref<128x128xf32, #tpu.memory_space<hbm>>
        %dma_wait3A_114 = tpu.memref_slice %arg8[%select_n3A_78] : memref<2x!tpu.dma_semaphore, #tpu.memory_space<semaphore_mem>> -> memref<1x!tpu.dma_semaphore, #tpu.memory_space<semaphore_mem>>
        %dma_wait3A_115 = tpu.memref_squeeze %dma_wait3A_114 : memref<1x!tpu.dma_semaphore, #tpu.memory_space<semaphore_mem>> -> memref<!tpu.dma_semaphore, #tpu.memory_space<semaphore_mem>>
        %dma_wait3A_116 = arith.constant 0 : i32
        %dma_wait3A_117 = tpu.memref_slice %arg4[%mul3A_107, %dma_wait3A_116] : memref<640000x128xf32, #tpu.memory_space<hbm>> -> memref<128x128xf32, #tpu.memory_space<hbm>>
        %dma_wait3A_118 = arith.constant 0 : i32
        %dma_wait3A_119 = arith.constant 0 : i32
        %dma_wait3A_120 = tpu.memref_slice %arg6[%select_n3A_78, %dma_wait3A_118, %dma_wait3A_119] : memref<2x128x128xf32, #tpu.memory_space<vmem>> -> memref<1x128x128xf32, #tpu.memory_space<vmem>>
        %dma_wait3A_121 = tpu.memref_squeeze %dma_wait3A_120 : memref<1x128x128xf32, #tpu.memory_space<vmem>> -> memref<128x128xf32, #tpu.memory_space<vmem>>
        tpu.wait_dma2 semaphore(%dma_wait3A_115 : memref<!tpu.dma_semaphore, #tpu.memory_space<semaphore_mem>>) src(%dma_wait3A_121 : memref<128x128xf32, #tpu.memory_space<vmem>>) dst(%dma_wait3A_117 : memref<128x128xf32, #tpu.memory_space<hbm>>)
      } else {
      }
      %add3A_87 = arith.constant 1 : i32
      %add3A_88 = arith.addi %scan3A_44, %add3A_87 : i32
      %lt3A_89 = arith.cmpi slt, %add3A_88, %select_n3A : i32
      %convert_element_type3A_90 = arith.extui %lt3A_89 : i1 to i32
      %cond3A_91 = arith.constant 0 : i32
      %cond3A_92 = arith.cmpi ne, %convert_element_type3A_90, %cond3A_91 : i32
      scf.if %cond3A_92 {
        %dma_start3A_98 = arith.constant 0 : i32
        %dma_start3A_99 = arith.constant 0 : i32
        %dma_start3A_100 = tpu.memref_slice %arg6[%select_n3A_78, %dma_start3A_98, %dma_start3A_99] : memref<2x128x128xf32, #tpu.memory_space<vmem>> -> memref<1x128x128xf32, #tpu.memory_space<vmem>>
        %dma_start3A_101 = tpu.memref_squeeze %dma_start3A_100 : memref<1x128x128xf32, #tpu.memory_space<vmem>> -> memref<128x128xf32, #tpu.memory_space<vmem>>
        %dma_start3A_102 = arith.constant 0 : i32
        %dma_start3A_103 = tpu.memref_slice %arg5[%add3A_88, %dma_start3A_102] : memref<160x128xi32, #tpu.memory_space<vmem>> -> memref<1x128xi32, #tpu.memory_space<vmem>>
        %dma_start3A_104 = tpu.memref_squeeze %dma_start3A_103 : memref<1x128xi32, #tpu.memory_space<vmem>> -> memref<128xi32, #tpu.memory_space<vmem>>
        %dma_start3A_105 = arith.constant 0 : i32
        %dma_start3A_106 = arith.constant 0 : i32
        %dma_start3A_107 = tpu.memref_slice %arg2[%dma_start3A_105, %dma_start3A_106] : memref<20000x128xf32, #tpu.memory_space<hbm>> -> memref<20000x128xf32, #tpu.memory_space<hbm>>
        %dma_start3A_108 = tpu.memref_slice %arg7[%select_n3A_78] : memref<2x!tpu.dma_semaphore, #tpu.memory_space<semaphore_mem>> -> memref<1x!tpu.dma_semaphore, #tpu.memory_space<semaphore_mem>>
        %dma_start3A_109 = tpu.memref_squeeze %dma_start3A_108 : memref<1x!tpu.dma_semaphore, #tpu.memory_space<semaphore_mem>> -> memref<!tpu.dma_semaphore, #tpu.memory_space<semaphore_mem>>
        tpu.enqueue_indirect_dma source(%dma_start3A_107 : memref<20000x128xf32, #tpu.memory_space<hbm>>) target(%dma_start3A_101 : memref<128x128xf32, #tpu.memory_space<vmem>>) offsets(%dma_start3A_104 : memref<128xi32, #tpu.memory_space<vmem>>) semaphore(%dma_start3A_109 : memref<!tpu.dma_semaphore, #tpu.memory_space<semaphore_mem>>)
      } else {
      }
      %lt3A_93 = arith.cmpi slt, %scan3A_44, %select_n3A : i32
      %convert_element_type3A_94 = arith.extui %lt3A_93 : i1 to i32
      %cond3A_95 = arith.constant 0 : i32
      %cond3A_96 = arith.cmpi ne, %convert_element_type3A_94, %cond3A_95 : i32
      scf.if %cond3A_96 {
        %dma_wait3A_98 = arith.constant 0 : i32
        %dma_wait3A_99 = arith.constant 0 : i32
        %dma_wait3A_100 = tpu.memref_slice %arg6[%select_n3A_60, %dma_wait3A_98, %dma_wait3A_99] : memref<2x128x128xf32, #tpu.memory_space<vmem>> -> memref<1x128x128xf32, #tpu.memory_space<vmem>>
        %dma_wait3A_101 = tpu.memref_squeeze %dma_wait3A_100 : memref<1x128x128xf32, #tpu.memory_space<vmem>> -> memref<128x128xf32, #tpu.memory_space<vmem>>
        %dma_wait3A_102 = arith.constant 0 : i32
        %dma_wait3A_103 = tpu.memref_slice %arg5[%scan3A_44, %dma_wait3A_102] : memref<160x128xi32, #tpu.memory_space<vmem>> -> memref<1x128xi32, #tpu.memory_space<vmem>>
        %dma_wait3A_104 = tpu.memref_squeeze %dma_wait3A_103 : memref<1x128xi32, #tpu.memory_space<vmem>> -> memref<128xi32, #tpu.memory_space<vmem>>
        %dma_wait3A_105 = arith.constant 0 : i32
        %dma_wait3A_106 = arith.constant 0 : i32
        %dma_wait3A_107 = tpu.memref_slice %arg2[%dma_wait3A_105, %dma_wait3A_106] : memref<20000x128xf32, #tpu.memory_space<hbm>> -> memref<20000x128xf32, #tpu.memory_space<hbm>>
        %dma_wait3A_108 = tpu.memref_slice %arg7[%select_n3A_60] : memref<2x!tpu.dma_semaphore, #tpu.memory_space<semaphore_mem>> -> memref<1x!tpu.dma_semaphore, #tpu.memory_space<semaphore_mem>>
        %dma_wait3A_109 = tpu.memref_squeeze %dma_wait3A_108 : memref<1x!tpu.dma_semaphore, #tpu.memory_space<semaphore_mem>> -> memref<!tpu.dma_semaphore, #tpu.memory_space<semaphore_mem>>
        tpu.wait_indirect_dma semaphore(%dma_wait3A_109 : memref<!tpu.dma_semaphore, #tpu.memory_space<semaphore_mem>>) src(%dma_wait3A_107 : memref<20000x128xf32, #tpu.memory_space<hbm>>) dst(%dma_wait3A_101 : memref<128x128xf32, #tpu.memory_space<vmem>>)
        %mul3A_110 = arith.constant 10000 : i32
        %mul3A_111 = arith.muli %arg0, %mul3A_110 : i32
        %add3A_112 = arith.addi %mul3A_111, %mul3A_0 : i32
        %mul3A_113 = arith.constant 4 : i32
        %mul3A_114 = arith.muli %scan3A_44, %mul3A_113 : i32
        %add3A_115 = arith.addi %add3A_112, %mul3A_114 : i32
        %mul3A_116 = arith.constant 32 : i32
        %mul3A_117 = arith.muli %add3A_115, %mul3A_116 : i32
        %dma_start3A_118 = arith.constant 0 : i32
        %dma_start3A_119 = arith.constant 0 : i32
        %dma_start3A_120 = tpu.memref_slice %arg6[%select_n3A_60, %dma_start3A_118, %dma_start3A_119] : memref<2x128x128xf32, #tpu.memory_space<vmem>> -> memref<1x128x128xf32, #tpu.memory_space<vmem>>
        %dma_start3A_121 = tpu.memref_squeeze %dma_start3A_120 : memref<1x128x128xf32, #tpu.memory_space<vmem>> -> memref<128x128xf32, #tpu.memory_space<vmem>>
        %dma_start3A_122 = arith.constant 0 : i32
        %dma_start3A_123 = tpu.memref_slice %arg4[%mul3A_117, %dma_start3A_122] : memref<640000x128xf32, #tpu.memory_space<hbm>> -> memref<128x128xf32, #tpu.memory_space<hbm>>
        %dma_start3A_124 = tpu.memref_slice %arg8[%select_n3A_60] : memref<2x!tpu.dma_semaphore, #tpu.memory_space<semaphore_mem>> -> memref<1x!tpu.dma_semaphore, #tpu.memory_space<semaphore_mem>>
        %dma_start3A_125 = tpu.memref_squeeze %dma_start3A_124 : memref<1x!tpu.dma_semaphore, #tpu.memory_space<semaphore_mem>> -> memref<!tpu.dma_semaphore, #tpu.memory_space<semaphore_mem>>
        %dma_start3A_126 = arith.constant 0 : i32
        %dma_start3A_127 = tpu.memref_slice %arg4[%mul3A_117, %dma_start3A_126] : memref<640000x128xf32, #tpu.memory_space<hbm>> -> memref<128x128xf32, #tpu.memory_space<hbm>>
        %dma_start3A_128 = arith.constant 0 : i32
        %dma_start3A_129 = arith.constant 0 : i32
        %dma_start3A_130 = tpu.memref_slice %arg6[%select_n3A_60, %dma_start3A_128, %dma_start3A_129] : memref<2x128x128xf32, #tpu.memory_space<vmem>> -> memref<1x128x128xf32, #tpu.memory_space<vmem>>
        %dma_start3A_131 = tpu.memref_squeeze %dma_start3A_130 : memref<1x128x128xf32, #tpu.memory_space<vmem>> -> memref<128x128xf32, #tpu.memory_space<vmem>>
        tpu.enqueue_dma source(%dma_start3A_131 : memref<128x128xf32, #tpu.memory_space<vmem>>) target(%dma_start3A_127 : memref<128x128xf32, #tpu.memory_space<hbm>>) target_semaphore(%dma_start3A_125 : memref<!tpu.dma_semaphore, #tpu.memory_space<semaphore_mem>>)
      } else {
      }
      %scan3A_97 = arith.constant 0 : i32
      scf.yield %scan3A_97 : i32
    }
    %scan3A_39 = arith.constant 157 : i32
    %eq3A = arith.constant 157 : i32
    %eq3A_40 = arith.cmpi eq, %select_n3A, %eq3A : i32
    %convert_element_type3A_41 = arith.extui %eq3A_40 : i1 to i32
    %cond3A_42 = arith.constant 0 : i32
    %cond3A_43 = arith.cmpi ne, %convert_element_type3A_41, %cond3A_42 : i32
    scf.if %cond3A_43 {
      %mul3A_44 = arith.constant 10000 : i32
      %mul3A_45 = arith.muli %arg0, %mul3A_44 : i32
      %add3A_46 = arith.addi %mul3A_45, %mul3A_0 : i32
      %add3A_47 = arith.constant 624 : i32
      %add3A_48 = arith.addi %add3A_46, %add3A_47 : i32
      %mul3A_49 = arith.constant 32 : i32
      %mul3A_50 = arith.muli %add3A_48, %mul3A_49 : i32
      %dma_wait3A_51 = arith.constant 0 : i32
      %dma_wait3A_52 = arith.constant 0 : i32
      %dma_wait3A_53 = arith.constant 0 : i32
      %dma_wait3A_54 = arith.constant 0 : i32
      %dma_wait3A_55 = tpu.memref_slice %arg6[%dma_wait3A_51, %dma_wait3A_53, %dma_wait3A_54] : memref<2x128x128xf32, #tpu.memory_space<vmem>> -> memref<1x128x128xf32, #tpu.memory_space<vmem>>
      %dma_wait3A_56 = tpu.memref_squeeze %dma_wait3A_55 : memref<1x128x128xf32, #tpu.memory_space<vmem>> -> memref<128x128xf32, #tpu.memory_space<vmem>>
      %dma_wait3A_57 = arith.constant 0 : i32
      %dma_wait3A_58 = tpu.memref_slice %arg4[%mul3A_50, %dma_wait3A_57] : memref<640000x128xf32, #tpu.memory_space<hbm>> -> memref<128x128xf32, #tpu.memory_space<hbm>>
      %dma_wait3A_59 = tpu.memref_slice %arg8[%dma_wait3A_52] : memref<2x!tpu.dma_semaphore, #tpu.memory_space<semaphore_mem>> -> memref<1x!tpu.dma_semaphore, #tpu.memory_space<semaphore_mem>>
      %dma_wait3A_60 = tpu.memref_squeeze %dma_wait3A_59 : memref<1x!tpu.dma_semaphore, #tpu.memory_space<semaphore_mem>> -> memref<!tpu.dma_semaphore, #tpu.memory_space<semaphore_mem>>
      %dma_wait3A_61 = arith.constant 0 : i32
      %dma_wait3A_62 = tpu.memref_slice %arg4[%mul3A_50, %dma_wait3A_61] : memref<640000x128xf32, #tpu.memory_space<hbm>> -> memref<128x128xf32, #tpu.memory_space<hbm>>
      %dma_wait3A_63 = arith.constant 0 : i32
      %dma_wait3A_64 = arith.constant 0 : i32
      %dma_wait3A_65 = tpu.memref_slice %arg6[%dma_wait3A_51, %dma_wait3A_63, %dma_wait3A_64] : memref<2x128x128xf32, #tpu.memory_space<vmem>> -> memref<1x128x128xf32, #tpu.memory_space<vmem>>
      %dma_wait3A_66 = tpu.memref_squeeze %dma_wait3A_65 : memref<1x128x128xf32, #tpu.memory_space<vmem>> -> memref<128x128xf32, #tpu.memory_space<vmem>>
      tpu.wait_dma2 semaphore(%dma_wait3A_60 : memref<!tpu.dma_semaphore, #tpu.memory_space<semaphore_mem>>) src(%dma_wait3A_66 : memref<128x128xf32, #tpu.memory_space<vmem>>) dst(%dma_wait3A_62 : memref<128x128xf32, #tpu.memory_space<hbm>>)
    } else {
    }
    return
  }
}

</mosaic_0001>

<sc_bundles>
// kernel: _sc_gather.3.cloned.1.call-start
scs
__scs_entry_jumppad:
0x0: {  	(pc) =	sbr.rel $0x88, $3  }
0x1: {  	(tag) =	ssettag $0x0;
	lr =	simm.s32 $0x1  }
0x2: {  	[smem:$0x3F9F] =	sst lr;
	_ =	strace $0xD0000000  }
0x3: {  	_ = 	snop  }
0x4: {  	_ = 	snop  }
0x5: {  	_ = 	snop  }
0x6: {  	_ = 	snop  }
0x7: {  	_ = 	snop  }
__scs_overlays_trampoline_lowered:
0x8: {  	[smem:$0x3FAE] =	sst s0  }
0x9: {  	[smem:$0x3FAF] =	sst s1  }
0xa: {  	[smem:$0x3FB0] =	sst s2  }
0xb: {  	[smem:$0x3FB1] =	sst s3  }
0xc: {  	[smem:$0x3FB2] =	sst s4  }
0xd: {  	[smem:$0x3FB3] =	sst s5  }
0xe: {  	[smem:$0x3FB4] =	sst s6  }
0xf: {  	[smem:$0x3FB5] =	sst s7  }
0x10: {  	[smem:$0x3FB6] =	sst s8  }
0x11: {  	[smem:$0x3FB7] =	sst s9;
	s0 =	simm.s32 @!p0 $0x0  }
0x12: {  	s1 =	sld [smem:$0x3F9D];
	s0 =	simm.s32 @p0 $0x1  }
0x13: {  	[smem:$0x3FB8] =	sst s0;
	s0 =	simm.s32 @!p1 $0x0  }
0x14: {  	s2 =	sld [smem:$0x3F9C];
	s0 =	simm.s32 @p1 $0x1  }
0x15: {  	[smem:$0x3FB9] =	sst s0;
	s0 =	simm.s32 @!p2 $0x0  }
0x16: {  	s3 =	sld [smem:$0x3FDB];
	s0 =	simm.s32 @p2 $0x1  }
0x17: {  	s4 =	simm.s32 $0x1BF5;
	[smem:$0x3FBB] =	sst s0  }
0x18: {  	s0 =	sld [smem:$0x3F9E];
	_ =	swait.ge [sflag:s4], $0x0  }
0x19: {  	s7 =	sld [smem:$0x3F9F]  }
0x1a: {  	s8 =	sadd.s32 $0xFFFFE003, lr  }
0x1b: {  	s9 =	sadd.s32 $0xFFFFFEF7, lr;
	s5 =	simm.s32 $0xFFFFFFFF;
	p2 =	slt.u32 s8, $0xFFFFF086  }
0x1c: {  	p1 =	slt.u32 s9, $0xF7A;
	s5 =	simm.s32 @!p2 $0x0  }
0x1d: {  	s5 =	simm.s32 @p1 $0x1;
	p0 =	seq.s32 s7, s2  }
0x1e: {  	s7 =	smul.u32 @!p0 $0xF7A, s2;
	p2 =	seq.s32 @!p0 s5, $0x0  }
0x1f: {  	s9 =	smul.u32 $0xF7A, s1;
	s8 =	simm.s32 @!p0 $0x1BF5;
	p2 =	por !p2, p0  }
0x20: {  	[sflag:s8] =	ssyncset.s32 @!p0 $0xFFFFF086;
	s6 =	sadd.s32 @!p0 s3, s7;
	s7 =	simm.s32 @!p0 $0x108  }
0x21: {  	s3 =	sadd.s32 s3, s9;
	s6 =	sadd.s32 @!p0 $0x88, s6;
	s7 =	simm.s32 @p2 $0x1082  }
0x22: {  	[simem:s7], [sflag:s8] =	dma.local @!p0 [hbm:s6], $0xF7A  }
0x23: {  	s9 =	sor.u32 $0xD0000000, s2;
	s6 =	simm.s32 $0x108;
	_ =	swait.ge @!p0 [sflag:s8], $0x0  }
0x24: {  	s3 =	sadd.s32 $0x88, s3;
	s6 =	simm.s32 @!p1 $0x1082;
	[sflag:s4] =	ssyncset.s32 $0xFFFFF086  }
0x25: {  	[simem:s6], [sflag:s4] =	dma.local [hbm:s3], $0xF7A  }
0x26: {  	[smem:$0x3F9F] =	sst s1;
	(tag) =	ssettag s2;
	_ =	strace s9  }
0x27: {  	s1 =	sld [smem:$0x3FAF]  }
0x28: {  	s2 =	sld [smem:$0x3FB0]  }
0x29: {  	s4 =	sld [smem:$0x3FB2]  }
0x2a: {  	p0 =	seq.s32 s5, $0x0;
	s5 =	sld [smem:$0x3FB3]  }
0x2b: {  	s6 =	sld [smem:$0x3FB4]  }
0x2c: {  	s7 =	sld [smem:$0x3FB5]  }
0x2d: {  	s3 =	simm.s32 $0x108;
	s8 =	sld [smem:$0x3FB6]  }
0x2e: {  	s3 =	simm.s32 @!p0 $0x1082;
	s9 =	sld [smem:$0x3FB7]  }
0x2f: {  	lr =	sadd.s32 s0, s3;
	s0 =	sld [smem:$0x3FAE]  }
0x30: {  	s3 =	sld [smem:$0x3FB1]  }
0x31: {  	[smem:$0x3FBA] =	sst s10  }
0x32: {  	s10 =	sld [smem:$0x3FB8];
	_ =	sdelay $0x3  }
0x33: {  	p0 =	seq.s32 s10, $0x1;
	s10 =	sld [smem:$0x3FBA];
	_ =	sdelay $0x3  }
0x34: {  	[smem:$0x3FBA] =	sst s10  }
0x35: {  	s10 =	sld [smem:$0x3FB9];
	_ =	sdelay $0x3  }
0x36: {  	p1 =	seq.s32 s10, $0x1;
	s10 =	sld [smem:$0x3FBA];
	_ =	sdelay $0x3  }
0x37: {  	[smem:$0x3FBA] =	sst s10  }
0x38: {  	s10 =	sld [smem:$0x3FBB]  }
0x39: {  	_ = 	snop;
	(pc) =	sbr.ind lr, $3  }
0x3a: {  	_ = 	snop  }
0x3b: {  	_ = 	snop  }
0x3c: {  	p2 =	seq.s32 s10, $0x1;
	s10 =	sld [smem:$0x3FBA]  }
0x3d: {  	_ =	shalt  }
0x3e: {  	_ =	shalt  }
0x3f: {  	_ =	shalt  }
0x40: {  	_ =	shalt  }
0x41: {  	_ =	shalt  }
0x42: {  	_ =	shalt  }
0x43: {  	_ =	shalt  }
0x44: {  	_ =	shalt  }
0x45: {  	_ =	shalt  }
0x46: {  	_ =	shalt  }
0x47: {  	_ =	shalt  }
0x48: {  	_ =	shalt  }
0x49: {  	_ =	shalt  }
0x4a: {  	_ =	shalt  }
0x4b: {  	_ =	shalt  }
0x4c: {  	_ =	shalt  }
0x4d: {  	_ =	shalt  }
0x4e: {  	_ =	shalt  }
0x4f: {  	_ =	shalt  }
0x50: {  	_ =	shalt  }
0x51: {  	_ =	shalt  }
0x52: {  	_ =	shalt  }
0x53: {  	_ =	shalt  }
0x54: {  	_ =	shalt  }
0x55: {  	_ =	shalt  }
0x56: {  	_ =	shalt  }
0x57: {  	_ =	shalt  }
0x58: {  	_ =	shalt  }
0x59: {  	_ =	shalt  }
0x5a: {  	_ =	shalt  }
0x5b: {  	_ =	shalt  }
0x5c: {  	_ =	shalt  }
0x5d: {  	_ =	shalt  }
0x5e: {  	_ =	shalt  }
0x5f: {  	_ =	shalt  }
0x60: {  	_ =	shalt  }
0x61: {  	_ =	shalt  }
0x62: {  	_ =	shalt  }
0x63: {  	_ =	shalt  }
0x64: {  	_ =	shalt  }
0x65: {  	_ =	shalt  }
0x66: {  	_ =	shalt  }
0x67: {  	_ =	shalt  }
0x68: {  	_ =	shalt  }
0x69: {  	_ =	shalt  }
0x6a: {  	_ =	shalt  }
0x6b: {  	_ =	shalt  }
0x6c: {  	_ =	shalt  }
0x6d: {  	_ =	shalt  }
0x6e: {  	_ =	shalt  }
0x6f: {  	_ =	shalt  }
0x70: {  	_ =	shalt  }
0x71: {  	_ =	shalt  }
0x72: {  	_ =	shalt  }
0x73: {  	_ =	shalt  }
0x74: {  	_ =	shalt  }
0x75: {  	_ =	shalt  }
0x76: {  	_ =	shalt  }
0x77: {  	_ =	shalt  }
0x78: {  	_ =	shalt  }
0x79: {  	_ =	shalt  }
0x7a: {  	_ =	shalt  }
0x7b: {  	_ =	shalt  }
0x7c: {  	_ =	shalt  }
0x7d: {  	_ =	shalt  }
0x7e: {  	_ =	shalt  }
0x7f: {  	_ =	shalt  }
0x80: {  	_ =	shalt  }
0x81: {  	_ =	shalt  }
0x82: {  	_ =	shalt  }
0x83: {  	_ =	shalt  }
0x84: {  	_ =	shalt  }
0x85: {  	_ =	shalt  }
0x86: {  	_ =	shalt  }
0x87: {  	_ =	shalt  }
.Lfunc_end0:
.L_simem_size_0:
called_computation_lowered:
.L_overlay_start_0:
0x88: {  	s2 =	sld [smem:$0x3FD9]  }
0x89: {  	s3 =	sld [smem:$0x3FFE];
	_ =	sdelay $0x1  }
0x8a: {  	s1 =	srdreg.scid  }
0x8b: {  	s0 =	sand.u32 $0x1, s1  }
0x8c: {  	s18 =	sshll.u32 s0, $0xA;
	s2 =	sadd.s32 s3, s2  }
0x8d: {  	s2 =	sadd.s32 s2, s18  }
0x8e: {  	[smem:$0x3FC6] =	sst s2  }
0x8f: {  	_ = 	snop  }
0x90: {  	s2 =	sld [smem:$0x3FC9]  }
0x91: {  	s19 =	sld [smem:$0x3FC8]  }
0x92: {  	s4 =	sld [smem:$0x3FD0];
	(tm) =	ssettm $0x1  }
0x93: {  	s5 =	sld [smem:$0x3FFB];
	_ =	sdelay $0x3  }
0x94: {  	_ =	strace s5  }
0x95: {  	s5 =	sld [smem:$0x3FFC];
	_ =	sdelay $0x3  }
0x96: {  	_ =	strace s5  }
0x97: {  	s5 =	sld [smem:$0x3FFD];
	_ =	sdelay $0x3  }
0x98: {  	_ =	strace s5  }
0x99: {  	_ =	strace $0x8FFFFFFF  }
0x9a: {  	s20 =	sld [smem:$0x3FDB];
	_ =	sdelay $0x1  }
0x9b: {  	s6 =	simm.s32 $_scs_section_size  }
0x9c: {  	s7 =	simm.s32 $_size__tile_overlayer_lowered;
	s8 =	simm.s32 $_tile_overlayer_lowered  }
0x9d: {  	s23 =	simm.s32 $0x1BFF;
	s22 =	sshll.u32 s8, $0x1;
	s5 =	sadd.s32 s6, s20  }
0x9e: {  	s9 =	simm.s32 $0x0;
	s21 =	sshll.u32 s7, $0x1;
	s7 =	sadd.s32 s22, s5  }
0x9f: {  	[timem:s9], [sflag:s23] =	dma.local [hbm:s7], s21  }
0xa0: {  	_ =	swait.ge [sflag:s23], s21  }
0xa1: {  	s6 =	ssub.s32 $0x0, s21;
	[sflag:s23] =	ssyncset.done $0x0  }
0xa2: {  	[sflag:s23] =	ssyncadd.s32 s6;
	_ =	sdelay $0x1  }
0xa3: {  	s24 =	simm.s32 $0x1B8B  }
0xa4: {  	_ =	swait.ge [sflag:s24], $0x1  }
0xa5: {  	[sflag:s24] =	ssyncset.done $0x0  }
0xa6: {  	s25 =	simm.s32 $0x1B8E;
	[sflag:s24] =	ssyncadd.s32 $0xFFFFFFFF  }
0xa7: {  	s26 =	simm.s32 $execute0_lowered;
	[smem:$0x3FD2] =	sst s25  }
0xa8: {  	s6 =	sshll.u32 s26, $0x1;
	_ =	strace $0x80000046;
	[dreg:$0x1] =	wrdreg $0xFFFFFFFF  }
0xa9: {  	s28 =	simm.s32 $_size_execute0_lowered;
	s5 =	sadd.s32 s5, s6;
	[dreg:$0x0] =	wrdreg $0x0  }
0xaa: {  	s6 =	sshll.u32 s28, $0x1;
	[dreg:$0x2] =	wrdreg s5  }
0xab: {  	[dreg:$0x3] =	wrdreg s6  }
0xac: {  	[dreg:$0x4] =	wrdreg $0xC0  }
0xad: {  	_ =	task [dreg:s9], $0x5FFFF  }
0xae: {  	[dreg:$0x1] =	wrdreg $0xFFFFFFFF  }
0xaf: {  	[dreg:$0x0] =	wrdreg $0x60  }
0xb0: {  	[dreg:$0x2] =	wrdreg s2  }
0xb1: {  	[dreg:$0x3] =	wrdreg s19  }
0xb2: {  	[dreg:$0x4] =	wrdreg s4  }
0xb3: {  	[dreg:$0x5] =	wrdreg $0x9  }
0xb4: {  	_ =	task.clear_ibuf [dreg:s9], $0x6FFFF;
	_ =	strace $0x90000046  }
0xb5: {  	s29 =	simm.s32 $0x9;
	_ =	strace $0x80000048  }
0xb6: {  	_ =	swait.ge [sflag:s29], $0x1  }
0xb7: {  	[sflag:s29] =	ssyncadd.s32 $0xFFFFFFFF  }
0xb8: {  	_ =	strace $0x90000048  }
0xb9: {  	_ =	sfence  }
0xba: {  	s30 =	sld [smem:$0x0];
	_ =	sdelay $0x2  }
0xbb: {  	s31 =	sshll.u32 s1, $0xD;
	s1 =	sshrl.u32 s1, $0x2  }
0xbc: {  	s3 =	sand.u32 $0x4000, s31;
	s1 =	sadd.s32 s1, s30  }
0xbd: {  	s0 =	sor.u32 s3, s0;
	s1 =	sshll.u32 s1, $0x11  }
0xbe: {  	s0 =	sor.u32 s1, s0  }
0xbf: {  	s0 =	sadd.s32 $0x8F2B, s0  }
0xc0: {  	[sflag:s0] =	ssyncadd.remote.s32 $0x1  }
0xc1: {  	_ =	sfence.sel $0xFFFF  }
0xc2: {  	[dreg:$0x0] =	wrdreg $0xFFFFFFFF;
	(pc) =	sbr.abs _section_cstart, $3  }
0xc3: {  	[dreg:$0x1] =	wrdreg $0xFFFFFFFF  }
0xc4: {  	_ =	task.clear_ibuf [dreg:s9], $0x2FFFF;
	_ =	strace $0x9FFFFFFF  }
0xc5: {  	(tm) =	ssettm $0x7FFFFFFF  }
tec
execute0_lowered:
.L_overlay_start_1:
0x0: {  	(tag) =	ssettag $0x1  }
0x1: {  	s1 =	rddreg [dreg:$0x0]  }
0x2: {  	s5 =	rddreg [dreg:$0x1];
	s2 =	srdreg.scid  }
0x3: {  	s6 =	rddreg [dreg:$0x2];
	s4 =	sand.u32 $0x1, s2;
	s2 =	stileid.u32  }
0x4: {  	s0 =	rddreg [dreg:$0x3];
	s3 =	simm.s32 $0x0;
	s8 =	smul.u32 $0x274, s2  }
0x5: {  	[smem:$0x7FF] =	sst s3;
	s7 =	sshll.u32 s4, $0x4;
	s11 =	smul.u32 $0x4E2000, s4  }
0x6: {  	_ =	strace $0x80000047;
	s9 =	ssub.s32 $0x2, s4;
	s30 =	smul.u32 $0x4E800, s2  }
0x7: {  	p0 =	seq.s32 s2, $0xF;
	s7 =	sor.u32 s2, s7;
	s10 =	sshrl.u32 s9, $0x1  }
0x8: {  	s7 =	smul.u32 $0xA00, s7;
	s8 =	ssub.s32 $0x2710, s8;
	s9 =	ssub.s32 s9, s10  }
0x9: {  	s31 =	sadd.s32 s11, s6;
	s10 =	simm.s32 $0x0;
	s29 =	smin.u32 s8, $0x274  }
0xa: {  	s6 =	smax.u32 s9, $0x1;
	s8 =	simm.s32 $0x5;
	s9 =	simm.s32 $0x5000  }
0xb: {  	s4 =	sshrl.u32 s29, $0x2;
	s5 =	sadd.s32 s5, s7;
	s7 =	sadd.s32 s30, s31  }
.LBB2_1:
0xc: {  	[tilespmem:s3], [sflag:$0x5] =	stream.linear.gather [hbm4b:s5+s3], $0x5000, $0x38;
	[tilespmem:$0xD000] =	vst v63  }
0xd: {  	s12 =	simm.s32 $0x80  }
0xe: {  	s11 =	simm.s32 $0x1;
	p2 =	sle.u32 s4, $0xFFFFFFFF;
	_ =	swait.ge [sflag:s8], $0x5000  }
0xf: {  	s14 =	sand.u32 $0x1, s3;
	s13 =	sand.u32 $0x1, s11;
	[sflag:s8] =	ssyncset.done $0x0  }
0x10: {  	p3 =	sle.u32 s4, $0x1;
	s15 =	sadd.s32 @!p2 $0x3, s13;
	[sflag:s8] =	ssyncadd.s32 $0xFFFFB000  }
0x11: {  	[tilespmem:s9], [sflag:$0x1] =	stream.indirect.gather [hbm4b:s1+s12], $0x80, s3, s12, $0xb8;
	[tilespmem:$0xD000] =	vst v63  }
0x12: {  	p1 =	sle.u32 s4, $0x0;
	s17 =	simm.s32 @!p3 $0x80;
	_ =	swait.ge @!p2 [sflag:s15], $0x4000  }
0x13: {  	s18 =	simm.s32 @!p1 $0x0;
	s16 =	sshll.u32 @!p3 s13, $0xE;
	[sflag:s15] =	ssyncset.done @!p2 $0x0  }
0x14: {  	s13 =	sadd.s32 @!p3 $0x1, s13;
	[sflag:s15] =	ssyncadd.s32 @!p2 $0xFFFFC000;
	s15 =	sadd.s32 @!p3 $0x5000, s16  }
0x15: {  	[tilespmem:s15], [sflag:s13] =	stream.indirect.gather @!p3 [hbm4b:s1+s17], $0x80, s12, s17, $0xb8;
	[tilespmem:$0xD000] =	vst v63  }
0x16: {  	s15 =	sadd.s32 @!p1 $0x1, s14;
	s12 =	sshll.u32 @!p1 s14, $0xE;
	s17 =	sadd.s32 @!p1 $0x3, s14  }
0x17: {  	s13 =	smov.u32 s7;
	s14 =	smov.u32 s7;
	_ =	swait.ge @!p1 [sflag:s15], $0x4000  }
0x18: {  	s16 =	sadd.s32 @!p1 $0x5000, s12;
	s12 =	simm.s32 $0x100;
	[sflag:s15] =	ssyncset.done @!p1 $0x0  }
.LBB2_2:
0x19: {  	[sflag:s15] =	ssyncadd.s32 @!p1 $0xFFFFC000  }
0x1a: {  	s13 =	sadd.s32 $0x800, s13;
	s15 =	smov.u32 s11;
	s11 =	sadd.s32 $0x1, s11  }
0x1b: {  	[hbm4b:s14+s18] =	stream.linear.scatter @!p1 [tilespmem:s16], [sflag:s17], $0x4000, $0x38;
	[tilespmem:$0xD000] =	vst v63  }
0x1c: {  	s16 =	sand.u32 $0x1, s11;
	s14 =	sadd.s32 $0xFFFFFFFF, s15;
	p2 =	sne.s32 s11, $0x9D  }
0x1d: {  	p3 =	sge.u32 s14, s4;
	s14 =	smov.u32 s13  }
0x1e: {  	s17 =	sand.u32 $0x1, s15;
	p4 =	sge.u32 s11, s4;
	s18 =	sadd.s32 @!p3 $0x3, s16  }
0x1f: {  	p1 =	sge.u32 s15, s4;
	s15 =	sshll.u32 @!p4 s16, $0xE;
	_ =	swait.ge @!p3 [sflag:s18], $0x4000  }
0x20: {  	s19 =	simm.s32 @!p4 $0x80;
	s15 =	sadd.s32 @!p4 $0x5000, s15;
	[sflag:s18] =	ssyncset.done @!p3 $0x0  }
.Ltmp0:
0x21: {  	s16 =	sadd.s32 @!p4 $0x1, s16;
	[sflag:s18] =	ssyncadd.s32 @!p3 $0xFFFFC000;
	(pc) =	sbr.rel @p2 .LBB2_2-.Ltmp0, $4  }
0x22: {  	[tilespmem:s15], [sflag:s16] =	stream.indirect.gather @!p4 [hbm4b:s1+s19], $0x80, s12, s19, $0xb8;
	[tilespmem:$0xD000] =	vst v63  }
0x23: {  	s15 =	sadd.s32 @!p1 $0x1, s17;
	s16 =	sshll.u32 @!p1 s17, $0xE  }
0x24: {  	s12 =	sadd.s32 $0x80, s12;
	s16 =	sadd.s32 @!p1 $0x5000, s16;
	_ =	swait.ge @!p1 [sflag:s15], $0x4000  }
0x25: {  	s18 =	simm.s32 @!p1 $0x0;
	s17 =	sadd.s32 @!p1 $0x3, s17;
	[sflag:s15] =	ssyncset.done @!p1 $0x0  }
0x26: {  	[sflag:s15] =	ssyncadd.s32 @!p1 $0xFFFFC000;
	s10 =	sadd.s32 $0x1, s10  }
0x27: {  	[hbm4b:s14+s18] =	stream.linear.scatter @!p1 [tilespmem:s16], [sflag:s17], $0x4000, $0x38;
	[tilespmem:$0xD000] =	vst v63  }
0x28: {  	p1 =	sne.s32 s10, s6  }
.Ltmp1:
0x29: {  	_ = 	snop;
	(pc) =	sbr.rel @p1 .LBB2_1-.Ltmp1, $4  }
0x2a: {  	s11 =	simm.s32 @!p0 $0x3  }
0x2b: {  	_ =	swait.ge @!p0 [sflag:s11], $0x4000  }
0x2c: {  	[sflag:s11] =	ssyncset.done @!p0 $0x0  }
0x2d: {  	[sflag:s11] =	ssyncadd.s32 @!p0 $0xFFFFC000  }
0x2e: {  	_ =	sfence.sel $0x180000  }
0x2f: {  	[bflag:$0x0] =	sbarrier.arrive $0xFFFF  }
0x30: {  	p0 =	sne.s32 s2, $0x0;
	_ =	strace $0x90000047  }
0x31: {  	s0 =	sadd.s32 @!p0 $0x100000, s0;
	[bflag:$0x2] =	sbarrier.arrive $0xFFFF  }
0x32: {  	[sflag:s0] =	ssyncadd.tile.s32 @!p0 $0x1;
	_ =	shalt  }
.Lfunc_end2:
_tile_overlayer_lowered:
.L_overlay_start_2:
0x33: {  	(tag) =	ssettag $0x2  }
0x34: {  	s0 =	rddreg [dreg:$0x0];
	s2 =	stileid.u32  }
0x35: {  	s1 =	rddreg [dreg:$0x1];
	p0 =	sne.s32 s2, $0x0  }
0x36: {  	s3 =	rddreg [dreg:$0x2];
	[bflag:$0x3] =	sbarrier.arrive $0xFFFF;
	s2 =	simm.s32 @!p0 $0x1C06  }
0x37: {  	[timem:s3], [sflag:s2] =	dma.local @!p0 [hbm:s0], s1  }
0x38: {  	s0 =	simm.s32 @!p0 $0x6  }
0x39: {  	_ =	swait.ge @!p0 [sflag:s0], s1  }
0x3a: {  	s1 =	ssub.s32 @!p0 $0x0, s1;
	[sflag:s0] =	ssyncset.done @!p0 $0x0  }
0x3b: {  	[sflag:s0] =	ssyncadd.s32 @!p0 s1  }
0x3c: {  	[bflag:$0x3] =	sbarrier.arrive $0xFFFF  }
0x3d: {  	_ =	shalt  }

</sc_bundles>
